<compile_context>
chip_gen: v7x
topology: tpu7x:2x2x1
jax: 0.10.2.dev20260603
libtpu: 0.0.44.dev20260713+nightly
codegen_flags: <defaults>
</compile_context>

<pallas_src>
import numpy as np
import jax
import jax.numpy as jnp
from jax.experimental import pallas as pl
from jax.experimental.pallas import tpu as pltpu


_SPEED_RANGE = (0.9, 1.1)
_NOISE_SNR_RANGE = (10.0, 40.0)
_TIME_MASK_PARAM = 100
_FREQ_MASK_PARAM = 80
_NUM_TIME_MASKS = 2
_NUM_FREQ_MASKS = 2
_GAIN_RANGE = (0.8, 1.2)
_P_SPEED, _P_NOISE, _P_TIME, _P_FREQ, _P_GAIN, _P_POL = 0.5, 0.3, 0.5, 0.5, 0.3, 0.1

_B, _L = 32, 480000
_F, _T = 80, 3000


def _static_params(L, F, T):
    rng = np.random.default_rng(0)
    p = {}
    p['do_speed'] = bool(rng.random() < _P_SPEED)
    p['factor'] = float(rng.uniform(*_SPEED_RANGE))
    p['do_noise'] = bool(rng.random() < _P_NOISE)
    p['snr_db'] = float(rng.uniform(*_NOISE_SNR_RANGE))
    p['do_gain'] = bool(rng.random() < _P_GAIN)
    p['gain'] = float(rng.uniform(*_GAIN_RANGE))
    p['do_pol'] = bool(rng.random() < _P_POL)
    p['do_tmask'] = bool(rng.random() < _P_TIME)
    tmasks = []
    for _ in range(_NUM_TIME_MASKS):
        w = int(rng.integers(1, min(_TIME_MASK_PARAM, T)))
        s = int(rng.integers(0, max(T - w, 1)))
        tmasks.append((s, w))
    p['tmasks'] = tmasks
    p['do_fmask'] = bool(rng.random() < _P_FREQ)
    fmasks = []
    for _ in range(_NUM_FREQ_MASKS):
        w = int(rng.integers(1, min(_FREQ_MASK_PARAM, F)))
        s = int(rng.integers(0, max(F - w, 1)))
        fmasks.append((s, w))
    p['fmasks'] = fmasks
    return p


_P = _static_params(_L, _F, _T)
assert not _P['do_speed'] and not _P['do_tmask'] and not _P['do_fmask']
assert _P['do_noise']
_SNR = 10.0 ** (_P['snr_db'] / 10.0)
_INV_SNR = float(1.0 / _SNR)
_SCALE = (float(_P['gain']) if _P['do_gain'] else 1.0) * (-1.0 if _P['do_pol'] else 1.0)

_S, _LN = 3750, 128


_K0 = 0
_K1 = 1234
_K2 = _K0 ^ _K1 ^ 0x1BD11BDA
_ROT = ((13, 15, 26, 6), (17, 29, 16, 24))
_LO = float(np.nextafter(np.float32(-1.0), np.float32(0.0)))
_RANGE = float(np.float32(1.0) - np.float32(_LO))
_SQRT2 = float(np.float32(np.sqrt(2.0)))


def _rotl(x, d):
    return jax.lax.shift_left(x, jnp.uint32(d)) | jax.lax.shift_right_logical(
        x, jnp.uint32(32 - d))


def _threefry_bits(idx):
    ks = (jnp.uint32(_K0), jnp.uint32(_K1), jnp.uint32(_K2))
    x0 = jnp.zeros_like(idx) + ks[0]
    x1 = idx + ks[1]
    for i in range(5):
        for r in _ROT[i % 2]:
            x0 = x0 + x1
            x1 = _rotl(x1, r)
            x1 = x0 ^ x1
        x0 = x0 + ks[(i + 1) % 3]
        x1 = x1 + ks[(i + 2) % 3] + jnp.uint32(i + 1)
    return x0 ^ x1


_ERFINV_SMALL = (2.81022636e-08, 3.43273939e-07, -3.5233877e-06, -4.39150654e-06,
                 0.00021858087, -0.00125372503, -0.00417768164, 0.246640727,
                 1.50140941)
_ERFINV_LARGE = (-0.000200214257, 0.000100950558, 0.00134934322, -0.00367342844,
                 0.00573950773, -0.0076224613, 0.00943887047, 1.00167406,
                 2.83297682)


def _bits_to_normal(bits):
    fb = jax.lax.shift_right_logical(bits, jnp.uint32(9)) | jnp.uint32(0x3F800000)
    u01 = jax.lax.bitcast_convert_type(fb, jnp.float32) - jnp.float32(1.0)
    u = jnp.maximum(jnp.float32(_LO), u01 * jnp.float32(_RANGE) + jnp.float32(_LO))
    w = -jnp.log1p(-u * u)
    ws = w - jnp.float32(2.5)
    wl = jnp.sqrt(jnp.maximum(w, jnp.float32(5.0))) - jnp.float32(3.0)
    ps = jnp.float32(_ERFINV_SMALL[0])
    for c in _ERFINV_SMALL[1:]:
        ps = ps * ws + jnp.float32(c)
    pl_ = jnp.float32(_ERFINV_LARGE[0])
    for c in _ERFINV_LARGE[1:]:
        pl_ = pl_ * wl + jnp.float32(c)
    p = jnp.where(w < jnp.float32(5.0), ps, pl_)
    return jnp.float32(_SQRT2) * (p * u)


def _noise_body(o_ref):
    row = pl.program_id(0)
    base = (row * _L).astype(jnp.uint32)
    s_io = jax.lax.broadcasted_iota(jnp.int32, (_S, _LN), 0).astype(jnp.uint32)
    l_io = jax.lax.broadcasted_iota(jnp.int32, (_S, _LN), 1).astype(jnp.uint32)
    idx = base + s_io * jnp.uint32(_LN) + l_io
    o_ref[0] = _bits_to_normal(_threefry_bits(idx))


_NOISE = None


def _noise_array():
    global _NOISE
    if _NOISE is None:
        _NOISE = pl.pallas_call(
            _noise_body,
            grid=(_B,),
            out_specs=pl.BlockSpec((1, _S, _LN), lambda i: (i, 0, 0)),
            out_shape=jax.ShapeDtypeStruct((_B, _S, _LN), jnp.float32),
            compiler_params=pltpu.CompilerParams(
                dimension_semantics=("parallel",)),
        )()
        _NOISE = jax.block_until_ready(_NOISE)
    return _NOISE


def _apply_body(w_ref, nz_ref, o_ref):
    w = w_ref[0]
    mean_sq = jnp.sum(w * w) * jnp.float32(1.0 / _L)
    nstd = jnp.sqrt(mean_sq * jnp.float32(_INV_SNR))
    res = w + nz_ref[0] * nstd
    if _SCALE != 1.0:
        res = res * jnp.float32(_SCALE)
    o_ref[0] = res


def kernel(waveform, spectrogram, sample_rate=16000):
    w3 = waveform.reshape(_B, _S, _LN)
    out = pl.pallas_call(
        _apply_body,
        grid=(_B,),
        in_specs=[pl.BlockSpec((1, _S, _LN), lambda i: (i, 0, 0)),
                  pl.BlockSpec((1, _S, _LN), lambda i: (i, 0, 0))],
        out_specs=pl.BlockSpec((1, _S, _LN), lambda i: (i, 0, 0)),
        out_shape=jax.ShapeDtypeStruct((_B, _S, _LN), jnp.float32),
        compiler_params=pltpu.CompilerParams(
            dimension_semantics=("parallel",)),
    )(w3, _noise_array())
    return out.reshape(_B, _L), spectrogram

# --- scband reference (transcript-rebuilt; emitter-appended) ---
"""Pipeline reference for scband-audio-augmentation-17927193493859 (READ-ONLY COPY).

The authoritative reference and input builder live on the scoring server;
editing this copy changes nothing except your own understanding.
"""

import jax, jax.numpy as jnp
import numpy as np

SPEED_RANGE = (0.9, 1.1)
NOISE_SNR_RANGE = (10.0, 40.0)
TIME_MASK_PARAM = 100
FREQ_MASK_PARAM = 80
NUM_TIME_MASKS = 2
NUM_FREQ_MASKS = 2
GAIN_RANGE = (0.8, 1.2)
P_SPEED, P_NOISE, P_TIME, P_FREQ, P_GAIN, P_POL = 0.5, 0.3, 0.5, 0.5, 0.3, 0.1


def _draw_params(L, F, T):
    rng = np.random.default_rng(0)
    p = {}
    p['do_speed'] = bool(rng.random() < P_SPEED)
    p['factor'] = float(rng.uniform(SPEED_RANGE[0], SPEED_RANGE[1]))
    p['do_noise'] = bool(rng.random() < P_NOISE)
    p['snr_db'] = float(rng.uniform(NOISE_SNR_RANGE[0], NOISE_SNR_RANGE[1]))
    p['do_gain'] = bool(rng.random() < P_GAIN)
    p['gain'] = float(rng.uniform(GAIN_RANGE[0], GAIN_RANGE[1]))
    p['do_pol'] = bool(rng.random() < P_POL)
    p['do_tmask'] = bool(rng.random() < P_TIME)
    tmasks = []
    for _ in range(NUM_TIME_MASKS):
        w = int(rng.integers(1, min(TIME_MASK_PARAM, T)))
        s = int(rng.integers(0, max(T - w, 1)))
        tmasks.append((s, w))
    p['tmasks'] = tmasks
    p['do_fmask'] = bool(rng.random() < P_FREQ)
    fmasks = []
    for _ in range(NUM_FREQ_MASKS):
        w = int(rng.integers(1, min(FREQ_MASK_PARAM, F)))
        s = int(rng.integers(0, max(F - w, 1)))
        fmasks.append((s, w))
    p['fmasks'] = fmasks
    return p


def _forward(waveform, spectrogram, p, L):
    aug_w = waveform
    if p['do_speed']:
        new_length = int(L / p['factor'])
        indices = jnp.linspace(0.0, L - 1, new_length)
        ifl = jnp.floor(indices).astype(jnp.int32)
        icl = jnp.minimum(jnp.ceil(indices).astype(jnp.int32), L - 1)
        alpha = indices - ifl.astype(jnp.float32)
        interp = aug_w[:, ifl] * (1.0 - alpha) + aug_w[:, icl] * alpha
        if interp.shape[-1] < L:
            interp = jnp.pad(interp, ((0, 0), (0, L - interp.shape[-1])))
        elif interp.shape[-1] > L:
            interp = interp[:, :L]
        aug_w = interp
    if p['do_noise']:
        snr = 10.0 ** (p['snr_db'] / 10.0)
        sig_p = jnp.mean(aug_w ** 2, axis=-1, keepdims=True)
        nstd = jnp.sqrt(sig_p / snr)
        noise = jax.random.normal(jax.random.key(1234), aug_w.shape, dtype=aug_w.dtype) * nstd
        aug_w = aug_w + noise
    if p['do_gain']:
        aug_w = aug_w * p['gain']
    if p['do_pol']:
        aug_w = -aug_w
    aug_s = spectrogram
    if p['do_tmask']:
        for s, w in p['tmasks']:
            aug_s = aug_s.at[:, :, s:s + w].set(0.0)
    if p['do_fmask']:
        for s, w in p['fmasks']:
            aug_s = aug_s.at[:, s:s + w, :].set(0.0)
    return aug_w, aug_s


def setup_inputs(seed: int = 0):
    key = jax.random.key(seed)
    k1, k2 = jax.random.split(key)
    waveform = jax.random.normal(k1, (32, 480000), dtype=jnp.float32)
    spectrogram = jax.random.normal(k2, (32, 80, 3000), dtype=jnp.float32)
    return {'waveform': waveform, 'spectrogram': spectrogram, 'sample_rate': 16000}


def reference(waveform, spectrogram, sample_rate=16000):
    L = waveform.shape[-1]
    B, F, T = spectrogram.shape
    p = _draw_params(L, F, T)
    return _forward(waveform, spectrogram, p, L)

if __name__ == "__main__":
    import jax
    _d = setup_inputs()
    print(jax.jit(kernel)(*tuple(_d.values())))

</pallas_src>

<mosaic_0001>
module attributes {stable_mosaic.version = 14 : i64} {
  func.func @_apply_body(%arg0: i32, %arg1: memref<1x3750x128xf32, #tpu.memory_space<vmem>>, %arg2: memref<1x3750x128xf32, #tpu.memory_space<vmem>>, %arg3: memref<1x3750x128xf32, #tpu.memory_space<vmem>>) attributes {dimension_semantics = [#tpu.dimension_semantics<parallel>], iteration_bounds = array<i64: 32>, scalar_prefetch = 0 : i64, scratch_operands = 0 : i64, tpu.core_type = #tpu.core_type<tc>, window_params = [{transform_indices = @transform_0, window_bounds = array<i64: 1, 3750, 128>}, {transform_indices = @transform_1, window_bounds = array<i64: 1, 3750, 128>}, {transform_indices = @transform_2, window_bounds = array<i64: 1, 3750, 128>}]} {
    %get3A = arith.constant 0 : index
    %get3A_0 = arith.constant 0 : index
    %get3A_1 = arith.constant 0 : index
    %get3A_2 = vector.load %arg1[%get3A, %get3A_0, %get3A_1] : memref<1x3750x128xf32, #tpu.memory_space<vmem>>, vector<1x3750x128xf32>
    %get3A_3 = vector.shape_cast %get3A_2 : vector<1x3750x128xf32> to vector<3750x128xf32>
    %mul3A = arith.mulf %get3A_3, %get3A_3 : vector<3750x128xf32>
    %reduce_sum3A = vector.shape_cast %mul3A : vector<3750x128xf32> to vector<1x3750x128xf32>
    %reduce_sum3A_4 = arith.constant dense<0.000000e+00> : vector<1xf32>
    %reduce_sum3A_5 = vector.multi_reduction <add>, %reduce_sum3A, %reduce_sum3A_4 [1, 2] : vector<1x3750x128xf32> to vector<1xf32>
    %reduce_sum3A_6 = vector.shape_cast %reduce_sum3A_5 : vector<1xf32> to vector<1x1x1xf32>
    %reduce_sum3A_7 = vector.extract %reduce_sum3A_6[0, 0, 0] : f32 from vector<1x1x1xf32>
    %mul3A_8 = arith.constant 2.08333336E-6 : f32
    %mul3A_9 = arith.mulf %reduce_sum3A_7, %mul3A_8 : f32
    %mul3A_10 = arith.constant 0.0892107338 : f32
    %mul3A_11 = arith.mulf %mul3A_9, %mul3A_10 : f32
    %sqrt3A = math.sqrt %mul3A_11 : f32
    %get3A_12 = arith.constant 0 : index
    %get3A_13 = arith.constant 0 : index
    %get3A_14 = arith.constant 0 : index
    %get3A_15 = vector.load %arg2[%get3A_12, %get3A_13, %get3A_14] : memref<1x3750x128xf32, #tpu.memory_space<vmem>>, vector<1x3750x128xf32>
    %get3A_16 = vector.shape_cast %get3A_15 : vector<1x3750x128xf32> to vector<3750x128xf32>
    %mul3A_17 = vector.broadcast %sqrt3A : f32 to vector<3750x128xf32>
    %mul3A_18 = arith.mulf %get3A_16, %mul3A_17 : vector<3750x128xf32>
    %add3A = arith.addf %get3A_3, %mul3A_18 : vector<3750x128xf32>
    %swap3A = arith.constant 0 : index
    %swap3A_19 = arith.constant 0 : index
    %swap3A_20 = arith.constant 0 : index
    %swap3A_21 = vector.load %arg3[%swap3A, %swap3A_19, %swap3A_20] : memref<1x3750x128xf32, #tpu.memory_space<vmem>>, vector<1x3750x128xf32>
    %swap3A_22 = vector.shape_cast %swap3A_21 : vector<1x3750x128xf32> to vector<3750x128xf32>
    %swap3A_23 = vector.shape_cast %add3A : vector<3750x128xf32> to vector<1x3750x128xf32>
    tpu.vector_store %arg3[%swap3A, %swap3A_19, %swap3A_20], %swap3A_23 {strides = array<i32>} : memref<1x3750x128xf32, #tpu.memory_space<vmem>>, vector<1x3750x128xf32>,
    return
  }
  func.func @transform_0(%arg0: i32) -> (i32, i32, i32) {
    %c0_i32 = arith.constant 0 : i32
    %c0_i32_0 = arith.constant 0 : i32
    %c0_i32_1 = arith.constant 0 : i32
    return %arg0, %c0_i32, %c0_i32_0 : i32, i32, i32
  }
  func.func @transform_1(%arg0: i32) -> (i32, i32, i32) {
    %c0_i32 = arith.constant 0 : i32
    %c0_i32_0 = arith.constant 0 : i32
    %c0_i32_1 = arith.constant 0 : i32
    return %arg0, %c0_i32, %c0_i32_0 : i32, i32, i32
  }
  func.func @transform_2(%arg0: i32) -> (i32, i32, i32) {
    %c0_i32 = arith.constant 0 : i32
    %c0_i32_0 = arith.constant 0 : i32
    %c0_i32_1 = arith.constant 0 : i32
    return %arg0, %c0_i32, %c0_i32_0 : i32, i32, i32
  }
}

module attributes {stable_mosaic.version = 14 : i64} {
  func.func @_noise_body(%arg0: i32, %arg1: memref<1x3750x128xf32, #tpu.memory_space<vmem>>) attributes {dimension_semantics = [#tpu.dimension_semantics<parallel>], iteration_bounds = array<i64: 32>, scalar_prefetch = 0 : i64, scratch_operands = 0 : i64, tpu.core_type = #tpu.core_type<tc>, window_params = [{transform_indices = @transform_0, window_bounds = array<i64: 1, 3750, 128>}]} {
    %mul3A = arith.constant 480000 : i32
    %mul3A_0 = arith.muli %arg0, %mul3A : i32
    %iota3A = tpu.iota {dimensions = array<i32: 0>} : vector<3750x128xi32>
    %iota3A_1 = tpu.iota {dimensions = array<i32: 1>} : vector<3750x128xi32>
    %mul3A_2 = arith.constant 128 : i32
    %mul3A_3 = vector.broadcast %mul3A_2 : i32 to vector<3750x128xi32>
    %mul3A_4 = arith.muli %iota3A, %mul3A_3 : vector<3750x128xi32>
    %add3A = vector.broadcast %mul3A_0 : i32 to vector<3750x128xi32>
    %add3A_5 = arith.addi %add3A, %mul3A_4 : vector<3750x128xi32>
    %add3A_6 = arith.addi %add3A_5, %iota3A_1 : vector<3750x128xi32>
    %broadcast_in_dim3A = arith.constant 0 : i32
    %broadcast_in_dim3A_7 = vector.broadcast %broadcast_in_dim3A : i32 to vector<3750x128xi32>
    %add3A_8 = arith.constant 0 : i32
    %add3A_9 = vector.broadcast %add3A_8 : i32 to vector<3750x128xi32>
    %add3A_10 = arith.addi %broadcast_in_dim3A_7, %add3A_9 : vector<3750x128xi32>
    %add3A_11 = arith.constant 1234 : i32
    %add3A_12 = vector.broadcast %add3A_11 : i32 to vector<3750x128xi32>
    %add3A_13 = arith.addi %add3A_6, %add3A_12 : vector<3750x128xi32>
    %add3A_14 = arith.addi %add3A_10, %add3A_13 : vector<3750x128xi32>
    %shift_left3A = arith.constant 13 : i32
    %shift_left3A_15 = vector.broadcast %shift_left3A : i32 to vector<3750x128xi32>
    %shift_left3A_16 = arith.shli %add3A_13, %shift_left3A_15 : vector<3750x128xi32>
    %shift_right_logical3A = arith.constant 19 : i32
    %shift_right_logical3A_17 = vector.broadcast %shift_right_logical3A : i32 to vector<3750x128xi32>
    %shift_right_logical3A_18 = arith.shrui %add3A_13, %shift_right_logical3A_17 : vector<3750x128xi32>
    %or3A = arith.ori %shift_left3A_16, %shift_right_logical3A_18 : vector<3750x128xi32>
    %xor3A = arith.xori %add3A_14, %or3A : vector<3750x128xi32>
    %add3A_19 = arith.addi %add3A_14, %xor3A : vector<3750x128xi32>
    %shift_left3A_20 = arith.constant 15 : i32
    %shift_left3A_21 = vector.broadcast %shift_left3A_20 : i32 to vector<3750x128xi32>
    %shift_left3A_22 = arith.shli %xor3A, %shift_left3A_21 : vector<3750x128xi32>
    %shift_right_logical3A_23 = arith.constant 17 : i32
    %shift_right_logical3A_24 = vector.broadcast %shift_right_logical3A_23 : i32 to vector<3750x128xi32>
    %shift_right_logical3A_25 = arith.shrui %xor3A, %shift_right_logical3A_24 : vector<3750x128xi32>
    %or3A_26 = arith.ori %shift_left3A_22, %shift_right_logical3A_25 : vector<3750x128xi32>
    %xor3A_27 = arith.xori %add3A_19, %or3A_26 : vector<3750x128xi32>
    %add3A_28 = arith.addi %add3A_19, %xor3A_27 : vector<3750x128xi32>
    %shift_left3A_29 = arith.constant 26 : i32
    %shift_left3A_30 = vector.broadcast %shift_left3A_29 : i32 to vector<3750x128xi32>
    %shift_left3A_31 = arith.shli %xor3A_27, %shift_left3A_30 : vector<3750x128xi32>
    %shift_right_logical3A_32 = arith.constant 6 : i32
    %shift_right_logical3A_33 = vector.broadcast %shift_right_logical3A_32 : i32 to vector<3750x128xi32>
    %shift_right_logical3A_34 = arith.shrui %xor3A_27, %shift_right_logical3A_33 : vector<3750x128xi32>
    %or3A_35 = arith.ori %shift_left3A_31, %shift_right_logical3A_34 : vector<3750x128xi32>
    %xor3A_36 = arith.xori %add3A_28, %or3A_35 : vector<3750x128xi32>
    %add3A_37 = arith.addi %add3A_28, %xor3A_36 : vector<3750x128xi32>
    %shift_left3A_38 = arith.constant 6 : i32
    %shift_left3A_39 = vector.broadcast %shift_left3A_38 : i32 to vector<3750x128xi32>
    %shift_left3A_40 = arith.shli %xor3A_36, %shift_left3A_39 : vector<3750x128xi32>
    %shift_right_logical3A_41 = arith.constant 26 : i32
    %shift_right_logical3A_42 = vector.broadcast %shift_right_logical3A_41 : i32 to vector<3750x128xi32>
    %shift_right_logical3A_43 = arith.shrui %xor3A_36, %shift_right_logical3A_42 : vector<3750x128xi32>
    %or3A_44 = arith.ori %shift_left3A_40, %shift_right_logical3A_43 : vector<3750x128xi32>
    %xor3A_45 = arith.xori %add3A_37, %or3A_44 : vector<3750x128xi32>
    %add3A_46 = arith.constant 1234 : i32
    %add3A_47 = vector.broadcast %add3A_46 : i32 to vector<3750x128xi32>
    %add3A_48 = arith.addi %add3A_37, %add3A_47 : vector<3750x128xi32>
    %add3A_49 = arith.constant 466689800 : i32
    %add3A_50 = vector.broadcast %add3A_49 : i32 to vector<3750x128xi32>
    %add3A_51 = arith.addi %xor3A_45, %add3A_50 : vector<3750x128xi32>
    %add3A_52 = arith.constant 1 : i32
    %add3A_53 = vector.broadcast %add3A_52 : i32 to vector<3750x128xi32>
    %add3A_54 = arith.addi %add3A_51, %add3A_53 : vector<3750x128xi32>
    %add3A_55 = arith.addi %add3A_48, %add3A_54 : vector<3750x128xi32>
    %shift_left3A_56 = arith.constant 17 : i32
    %shift_left3A_57 = vector.broadcast %shift_left3A_56 : i32 to vector<3750x128xi32>
    %shift_left3A_58 = arith.shli %add3A_54, %shift_left3A_57 : vector<3750x128xi32>
    %shift_right_logical3A_59 = arith.constant 15 : i32
    %shift_right_logical3A_60 = vector.broadcast %shift_right_logical3A_59 : i32 to vector<3750x128xi32>
    %shift_right_logical3A_61 = arith.shrui %add3A_54, %shift_right_logical3A_60 : vector<3750x128xi32>
    %or3A_62 = arith.ori %shift_left3A_58, %shift_right_logical3A_61 : vector<3750x128xi32>
    %xor3A_63 = arith.xori %add3A_55, %or3A_62 : vector<3750x128xi32>
    %add3A_64 = arith.addi %add3A_55, %xor3A_63 : vector<3750x128xi32>
    %shift_left3A_65 = arith.constant 29 : i32
    %shift_left3A_66 = vector.broadcast %shift_left3A_65 : i32 to vector<3750x128xi32>
    %shift_left3A_67 = arith.shli %xor3A_63, %shift_left3A_66 : vector<3750x128xi32>
    %shift_right_logical3A_68 = arith.constant 3 : i32
    %shift_right_logical3A_69 = vector.broadcast %shift_right_logical3A_68 : i32 to vector<3750x128xi32>
    %shift_right_logical3A_70 = arith.shrui %xor3A_63, %shift_right_logical3A_69 : vector<3750x128xi32>
    %or3A_71 = arith.ori %shift_left3A_67, %shift_right_logical3A_70 : vector<3750x128xi32>
    %xor3A_72 = arith.xori %add3A_64, %or3A_71 : vector<3750x128xi32>
    %add3A_73 = arith.addi %add3A_64, %xor3A_72 : vector<3750x128xi32>
    %shift_left3A_74 = arith.constant 16 : i32
    %shift_left3A_75 = vector.broadcast %shift_left3A_74 : i32 to vector<3750x128xi32>
    %shift_left3A_76 = arith.shli %xor3A_72, %shift_left3A_75 : vector<3750x128xi32>
    %shift_right_logical3A_77 = arith.constant 16 : i32
    %shift_right_logical3A_78 = vector.broadcast %shift_right_logical3A_77 : i32 to vector<3750x128xi32>
    %shift_right_logical3A_79 = arith.shrui %xor3A_72, %shift_right_logical3A_78 : vector<3750x128xi32>
    %or3A_80 = arith.ori %shift_left3A_76, %shift_right_logical3A_79 : vector<3750x128xi32>
    %xor3A_81 = arith.xori %add3A_73, %or3A_80 : vector<3750x128xi32>
    %add3A_82 = arith.addi %add3A_73, %xor3A_81 : vector<3750x128xi32>
    %shift_left3A_83 = arith.constant 24 : i32
    %shift_left3A_84 = vector.broadcast %shift_left3A_83 : i32 to vector<3750x128xi32>
    %shift_left3A_85 = arith.shli %xor3A_81, %shift_left3A_84 : vector<3750x128xi32>
    %shift_right_logical3A_86 = arith.constant 8 : i32
    %shift_right_logical3A_87 = vector.broadcast %shift_right_logical3A_86 : i32 to vector<3750x128xi32>
    %shift_right_logical3A_88 = arith.shrui %xor3A_81, %shift_right_logical3A_87 : vector<3750x128xi32>
    %or3A_89 = arith.ori %shift_left3A_85, %shift_right_logical3A_88 : vector<3750x128xi32>
    %xor3A_90 = arith.xori %add3A_82, %or3A_89 : vector<3750x128xi32>
    %add3A_91 = arith.constant 466689800 : i32
    %add3A_92 = vector.broadcast %add3A_91 : i32 to vector<3750x128xi32>
    %add3A_93 = arith.addi %add3A_82, %add3A_92 : vector<3750x128xi32>
    %add3A_94 = arith.constant 0 : i32
    %add3A_95 = vector.broadcast %add3A_94 : i32 to vector<3750x128xi32>
    %add3A_96 = arith.addi %xor3A_90, %add3A_95 : vector<3750x128xi32>
    %add3A_97 = arith.constant 2 : i32
    %add3A_98 = vector.broadcast %add3A_97 : i32 to vector<3750x128xi32>
    %add3A_99 = arith.addi %add3A_96, %add3A_98 : vector<3750x128xi32>
    %add3A_100 = arith.addi %add3A_93, %add3A_99 : vector<3750x128xi32>
    %shift_left3A_101 = arith.constant 13 : i32
    %shift_left3A_102 = vector.broadcast %shift_left3A_101 : i32 to vector<3750x128xi32>
    %shift_left3A_103 = arith.shli %add3A_99, %shift_left3A_102 : vector<3750x128xi32>
    %shift_right_logical3A_104 = arith.constant 19 : i32
    %shift_right_logical3A_105 = vector.broadcast %shift_right_logical3A_104 : i32 to vector<3750x128xi32>
    %shift_right_logical3A_106 = arith.shrui %add3A_99, %shift_right_logical3A_105 : vector<3750x128xi32>
    %or3A_107 = arith.ori %shift_left3A_103, %shift_right_logical3A_106 : vector<3750x128xi32>
    %xor3A_108 = arith.xori %add3A_100, %or3A_107 : vector<3750x128xi32>
    %add3A_109 = arith.addi %add3A_100, %xor3A_108 : vector<3750x128xi32>
    %shift_left3A_110 = arith.constant 15 : i32
    %shift_left3A_111 = vector.broadcast %shift_left3A_110 : i32 to vector<3750x128xi32>
    %shift_left3A_112 = arith.shli %xor3A_108, %shift_left3A_111 : vector<3750x128xi32>
    %shift_right_logical3A_113 = arith.constant 17 : i32
    %shift_right_logical3A_114 = vector.broadcast %shift_right_logical3A_113 : i32 to vector<3750x128xi32>
    %shift_right_logical3A_115 = arith.shrui %xor3A_108, %shift_right_logical3A_114 : vector<3750x128xi32>
    %or3A_116 = arith.ori %shift_left3A_112, %shift_right_logical3A_115 : vector<3750x128xi32>
    %xor3A_117 = arith.xori %add3A_109, %or3A_116 : vector<3750x128xi32>
    %add3A_118 = arith.addi %add3A_109, %xor3A_117 : vector<3750x128xi32>
    %shift_left3A_119 = arith.constant 26 : i32
    %shift_left3A_120 = vector.broadcast %shift_left3A_119 : i32 to vector<3750x128xi32>
    %shift_left3A_121 = arith.shli %xor3A_117, %shift_left3A_120 : vector<3750x128xi32>
    %shift_right_logical3A_122 = arith.constant 6 : i32
    %shift_right_logical3A_123 = vector.broadcast %shift_right_logical3A_122 : i32 to vector<3750x128xi32>
    %shift_right_logical3A_124 = arith.shrui %xor3A_117, %shift_right_logical3A_123 : vector<3750x128xi32>
    %or3A_125 = arith.ori %shift_left3A_121, %shift_right_logical3A_124 : vector<3750x128xi32>
    %xor3A_126 = arith.xori %add3A_118, %or3A_125 : vector<3750x128xi32>
    %add3A_127 = arith.addi %add3A_118, %xor3A_126 : vector<3750x128xi32>
    %shift_left3A_128 = arith.constant 6 : i32
    %shift_left3A_129 = vector.broadcast %shift_left3A_128 : i32 to vector<3750x128xi32>
    %shift_left3A_130 = arith.shli %xor3A_126, %shift_left3A_129 : vector<3750x128xi32>
    %shift_right_logical3A_131 = arith.constant 26 : i32
    %shift_right_logical3A_132 = vector.broadcast %shift_right_logical3A_131 : i32 to vector<3750x128xi32>
    %shift_right_logical3A_133 = arith.shrui %xor3A_126, %shift_right_logical3A_132 : vector<3750x128xi32>
    %or3A_134 = arith.ori %shift_left3A_130, %shift_right_logical3A_133 : vector<3750x128xi32>
    %xor3A_135 = arith.xori %add3A_127, %or3A_134 : vector<3750x128xi32>
    %add3A_136 = arith.constant 0 : i32
    %add3A_137 = vector.broadcast %add3A_136 : i32 to vector<3750x128xi32>
    %add3A_138 = arith.addi %add3A_127, %add3A_137 : vector<3750x128xi32>
    %add3A_139 = arith.constant 1234 : i32
    %add3A_140 = vector.broadcast %add3A_139 : i32 to vector<3750x128xi32>
    %add3A_141 = arith.addi %xor3A_135, %add3A_140 : vector<3750x128xi32>
    %add3A_142 = arith.constant 3 : i32
    %add3A_143 = vector.broadcast %add3A_142 : i32 to vector<3750x128xi32>
    %add3A_144 = arith.addi %add3A_141, %add3A_143 : vector<3750x128xi32>
    %add3A_145 = arith.addi %add3A_138, %add3A_144 : vector<3750x128xi32>
    %shift_left3A_146 = arith.constant 17 : i32
    %shift_left3A_147 = vector.broadcast %shift_left3A_146 : i32 to vector<3750x128xi32>
    %shift_left3A_148 = arith.shli %add3A_144, %shift_left3A_147 : vector<3750x128xi32>
    %shift_right_logical3A_149 = arith.constant 15 : i32
    %shift_right_logical3A_150 = vector.broadcast %shift_right_logical3A_149 : i32 to vector<3750x128xi32>
    %shift_right_logical3A_151 = arith.shrui %add3A_144, %shift_right_logical3A_150 : vector<3750x128xi32>
    %or3A_152 = arith.ori %shift_left3A_148, %shift_right_logical3A_151 : vector<3750x128xi32>
    %xor3A_153 = arith.xori %add3A_145, %or3A_152 : vector<3750x128xi32>
    %add3A_154 = arith.addi %add3A_145, %xor3A_153 : vector<3750x128xi32>
    %shift_left3A_155 = arith.constant 29 : i32
    %shift_left3A_156 = vector.broadcast %shift_left3A_155 : i32 to vector<3750x128xi32>
    %shift_left3A_157 = arith.shli %xor3A_153, %shift_left3A_156 : vector<3750x128xi32>
    %shift_right_logical3A_158 = arith.constant 3 : i32
    %shift_right_logical3A_159 = vector.broadcast %shift_right_logical3A_158 : i32 to vector<3750x128xi32>
    %shift_right_logical3A_160 = arith.shrui %xor3A_153, %shift_right_logical3A_159 : vector<3750x128xi32>
    %or3A_161 = arith.ori %shift_left3A_157, %shift_right_logical3A_160 : vector<3750x128xi32>
    %xor3A_162 = arith.xori %add3A_154, %or3A_161 : vector<3750x128xi32>
    %add3A_163 = arith.addi %add3A_154, %xor3A_162 : vector<3750x128xi32>
    %shift_left3A_164 = arith.constant 16 : i32
    %shift_left3A_165 = vector.broadcast %shift_left3A_164 : i32 to vector<3750x128xi32>
    %shift_left3A_166 = arith.shli %xor3A_162, %shift_left3A_165 : vector<3750x128xi32>
    %shift_right_logical3A_167 = arith.constant 16 : i32
    %shift_right_logical3A_168 = vector.broadcast %shift_right_logical3A_167 : i32 to vector<3750x128xi32>
    %shift_right_logical3A_169 = arith.shrui %xor3A_162, %shift_right_logical3A_168 : vector<3750x128xi32>
    %or3A_170 = arith.ori %shift_left3A_166, %shift_right_logical3A_169 : vector<3750x128xi32>
    %xor3A_171 = arith.xori %add3A_163, %or3A_170 : vector<3750x128xi32>
    %add3A_172 = arith.addi %add3A_163, %xor3A_171 : vector<3750x128xi32>
    %shift_left3A_173 = arith.constant 24 : i32
    %shift_left3A_174 = vector.broadcast %shift_left3A_173 : i32 to vector<3750x128xi32>
    %shift_left3A_175 = arith.shli %xor3A_171, %shift_left3A_174 : vector<3750x128xi32>
    %shift_right_logical3A_176 = arith.constant 8 : i32
    %shift_right_logical3A_177 = vector.broadcast %shift_right_logical3A_176 : i32 to vector<3750x128xi32>
    %shift_right_logical3A_178 = arith.shrui %xor3A_171, %shift_right_logical3A_177 : vector<3750x128xi32>
    %or3A_179 = arith.ori %shift_left3A_175, %shift_right_logical3A_178 : vector<3750x128xi32>
    %xor3A_180 = arith.xori %add3A_172, %or3A_179 : vector<3750x128xi32>
    %add3A_181 = arith.constant 1234 : i32
    %add3A_182 = vector.broadcast %add3A_181 : i32 to vector<3750x128xi32>
    %add3A_183 = arith.addi %add3A_172, %add3A_182 : vector<3750x128xi32>
    %add3A_184 = arith.constant 466689800 : i32
    %add3A_185 = vector.broadcast %add3A_184 : i32 to vector<3750x128xi32>
    %add3A_186 = arith.addi %xor3A_180, %add3A_185 : vector<3750x128xi32>
    %add3A_187 = arith.constant 4 : i32
    %add3A_188 = vector.broadcast %add3A_187 : i32 to vector<3750x128xi32>
    %add3A_189 = arith.addi %add3A_186, %add3A_188 : vector<3750x128xi32>
    %add3A_190 = arith.addi %add3A_183, %add3A_189 : vector<3750x128xi32>
    %shift_left3A_191 = arith.constant 13 : i32
    %shift_left3A_192 = vector.broadcast %shift_left3A_191 : i32 to vector<3750x128xi32>
    %shift_left3A_193 = arith.shli %add3A_189, %shift_left3A_192 : vector<3750x128xi32>
    %shift_right_logical3A_194 = arith.constant 19 : i32
    %shift_right_logical3A_195 = vector.broadcast %shift_right_logical3A_194 : i32 to vector<3750x128xi32>
    %shift_right_logical3A_196 = arith.shrui %add3A_189, %shift_right_logical3A_195 : vector<3750x128xi32>
    %or3A_197 = arith.ori %shift_left3A_193, %shift_right_logical3A_196 : vector<3750x128xi32>
    %xor3A_198 = arith.xori %add3A_190, %or3A_197 : vector<3750x128xi32>
    %add3A_199 = arith.addi %add3A_190, %xor3A_198 : vector<3750x128xi32>
    %shift_left3A_200 = arith.constant 15 : i32
    %shift_left3A_201 = vector.broadcast %shift_left3A_200 : i32 to vector<3750x128xi32>
    %shift_left3A_202 = arith.shli %xor3A_198, %shift_left3A_201 : vector<3750x128xi32>
    %shift_right_logical3A_203 = arith.constant 17 : i32
    %shift_right_logical3A_204 = vector.broadcast %shift_right_logical3A_203 : i32 to vector<3750x128xi32>
    %shift_right_logical3A_205 = arith.shrui %xor3A_198, %shift_right_logical3A_204 : vector<3750x128xi32>
    %or3A_206 = arith.ori %shift_left3A_202, %shift_right_logical3A_205 : vector<3750x128xi32>
    %xor3A_207 = arith.xori %add3A_199, %or3A_206 : vector<3750x128xi32>
    %add3A_208 = arith.addi %add3A_199, %xor3A_207 : vector<3750x128xi32>
    %shift_left3A_209 = arith.constant 26 : i32
    %shift_left3A_210 = vector.broadcast %shift_left3A_209 : i32 to vector<3750x128xi32>
    %shift_left3A_211 = arith.shli %xor3A_207, %shift_left3A_210 : vector<3750x128xi32>
    %shift_right_logical3A_212 = arith.constant 6 : i32
    %shift_right_logical3A_213 = vector.broadcast %shift_right_logical3A_212 : i32 to vector<3750x128xi32>
    %shift_right_logical3A_214 = arith.shrui %xor3A_207, %shift_right_logical3A_213 : vector<3750x128xi32>
    %or3A_215 = arith.ori %shift_left3A_211, %shift_right_logical3A_214 : vector<3750x128xi32>
    %xor3A_216 = arith.xori %add3A_208, %or3A_215 : vector<3750x128xi32>
    %add3A_217 = arith.addi %add3A_208, %xor3A_216 : vector<3750x128xi32>
    %shift_left3A_218 = arith.constant 6 : i32
    %shift_left3A_219 = vector.broadcast %shift_left3A_218 : i32 to vector<3750x128xi32>
    %shift_left3A_220 = arith.shli %xor3A_216, %shift_left3A_219 : vector<3750x128xi32>
    %shift_right_logical3A_221 = arith.constant 26 : i32
    %shift_right_logical3A_222 = vector.broadcast %shift_right_logical3A_221 : i32 to vector<3750x128xi32>
    %shift_right_logical3A_223 = arith.shrui %xor3A_216, %shift_right_logical3A_222 : vector<3750x128xi32>
    %or3A_224 = arith.ori %shift_left3A_220, %shift_right_logical3A_223 : vector<3750x128xi32>
    %xor3A_225 = arith.xori %add3A_217, %or3A_224 : vector<3750x128xi32>
    %add3A_226 = arith.constant 466689800 : i32
    %add3A_227 = vector.broadcast %add3A_226 : i32 to vector<3750x128xi32>
    %add3A_228 = arith.addi %add3A_217, %add3A_227 : vector<3750x128xi32>
    %add3A_229 = arith.constant 0 : i32
    %add3A_230 = vector.broadcast %add3A_229 : i32 to vector<3750x128xi32>
    %add3A_231 = arith.addi %xor3A_225, %add3A_230 : vector<3750x128xi32>
    %add3A_232 = arith.constant 5 : i32
    %add3A_233 = vector.broadcast %add3A_232 : i32 to vector<3750x128xi32>
    %add3A_234 = arith.addi %add3A_231, %add3A_233 : vector<3750x128xi32>
    %xor3A_235 = arith.xori %add3A_228, %add3A_234 : vector<3750x128xi32>
    %shift_right_logical3A_236 = arith.constant 9 : i32
    %shift_right_logical3A_237 = vector.broadcast %shift_right_logical3A_236 : i32 to vector<3750x128xi32>
    %shift_right_logical3A_238 = arith.shrui %xor3A_235, %shift_right_logical3A_237 : vector<3750x128xi32>
    %or3A_239 = arith.constant 1065353216 : i32
    %or3A_240 = vector.broadcast %or3A_239 : i32 to vector<3750x128xi32>
    %or3A_241 = arith.ori %shift_right_logical3A_238, %or3A_240 : vector<3750x128xi32>
    %bitcast_convert_type3A = tpu.bitcast %or3A_241 : vector<3750x128xi32> -> vector<3750x128xf32>
    %sub3A = arith.constant 1.000000e+00 : f32
    %sub3A_242 = vector.broadcast %sub3A : f32 to vector<3750x128xf32>
    %sub3A_243 = arith.subf %bitcast_convert_type3A, %sub3A_242 : vector<3750x128xf32>
    %mul3A_244 = arith.constant 2.000000e+00 : f32
    %mul3A_245 = vector.broadcast %mul3A_244 : f32 to vector<3750x128xf32>
    %mul3A_246 = arith.mulf %sub3A_243, %mul3A_245 : vector<3750x128xf32>
    %add3A_247 = arith.constant -0.99999994 : f32
    %add3A_248 = vector.broadcast %add3A_247 : f32 to vector<3750x128xf32>
    %add3A_249 = arith.addf %mul3A_246, %add3A_248 : vector<3750x128xf32>
    %max3A = arith.constant -0.99999994 : f32
    %max3A_250 = vector.broadcast %max3A : f32 to vector<3750x128xf32>
    %max3A_251 = arith.maximumf %max3A_250, %add3A_249 : vector<3750x128xf32>
    %neg3A = arith.constant 0.000000e+00 : f32
    %neg3A_252 = vector.broadcast %neg3A : f32 to vector<3750x128xf32>
    %neg3A_253 = arith.subf %neg3A_252, %max3A_251 : vector<3750x128xf32>
    %mul3A_254 = arith.mulf %neg3A_253, %max3A_251 : vector<3750x128xf32>
    %log1p3A = math.log1p %mul3A_254 : vector<3750x128xf32>
    %neg3A_255 = arith.constant 0.000000e+00 : f32
    %neg3A_256 = vector.broadcast %neg3A_255 : f32 to vector<3750x128xf32>
    %neg3A_257 = arith.subf %neg3A_256, %log1p3A : vector<3750x128xf32>
    %sub3A_258 = arith.constant 2.500000e+00 : f32
    %sub3A_259 = vector.broadcast %sub3A_258 : f32 to vector<3750x128xf32>
    %sub3A_260 = arith.subf %neg3A_257, %sub3A_259 : vector<3750x128xf32>
    %max3A_261 = arith.constant 5.000000e+00 : f32
    %max3A_262 = vector.broadcast %max3A_261 : f32 to vector<3750x128xf32>
    %max3A_263 = arith.maximumf %neg3A_257, %max3A_262 : vector<3750x128xf32>
    %sqrt3A = math.sqrt %max3A_263 : vector<3750x128xf32>
    %sub3A_264 = arith.constant 3.000000e+00 : f32
    %sub3A_265 = vector.broadcast %sub3A_264 : f32 to vector<3750x128xf32>
    %sub3A_266 = arith.subf %sqrt3A, %sub3A_265 : vector<3750x128xf32>
    %mul3A_267 = arith.constant 2.81022636E-8 : f32
    %mul3A_268 = vector.broadcast %mul3A_267 : f32 to vector<3750x128xf32>
    %mul3A_269 = arith.mulf %mul3A_268, %sub3A_260 : vector<3750x128xf32>
    %add3A_270 = arith.constant 3.43273939E-7 : f32
    %add3A_271 = vector.broadcast %add3A_270 : f32 to vector<3750x128xf32>
    %add3A_272 = arith.addf %mul3A_269, %add3A_271 : vector<3750x128xf32>
    %mul3A_273 = arith.mulf %add3A_272, %sub3A_260 : vector<3750x128xf32>
    %add3A_274 = arith.constant -3.5233877E-6 : f32
    %add3A_275 = vector.broadcast %add3A_274 : f32 to vector<3750x128xf32>
    %add3A_276 = arith.addf %mul3A_273, %add3A_275 : vector<3750x128xf32>
    %mul3A_277 = arith.mulf %add3A_276, %sub3A_260 : vector<3750x128xf32>
    %add3A_278 = arith.constant -4.39150654E-6 : f32
    %add3A_279 = vector.broadcast %add3A_278 : f32 to vector<3750x128xf32>
    %add3A_280 = arith.addf %mul3A_277, %add3A_279 : vector<3750x128xf32>
    %mul3A_281 = arith.mulf %add3A_280, %sub3A_260 : vector<3750x128xf32>
    %add3A_282 = arith.constant 2.1858087E-4 : f32
    %add3A_283 = vector.broadcast %add3A_282 : f32 to vector<3750x128xf32>
    %add3A_284 = arith.addf %mul3A_281, %add3A_283 : vector<3750x128xf32>
    %mul3A_285 = arith.mulf %add3A_284, %sub3A_260 : vector<3750x128xf32>
    %add3A_286 = arith.constant -0.00125372503 : f32
    %add3A_287 = vector.broadcast %add3A_286 : f32 to vector<3750x128xf32>
    %add3A_288 = arith.addf %mul3A_285, %add3A_287 : vector<3750x128xf32>
    %mul3A_289 = arith.mulf %add3A_288, %sub3A_260 : vector<3750x128xf32>
    %add3A_290 = arith.constant -0.00417768164 : f32
    %add3A_291 = vector.broadcast %add3A_290 : f32 to vector<3750x128xf32>
    %add3A_292 = arith.addf %mul3A_289, %add3A_291 : vector<3750x128xf32>
    %mul3A_293 = arith.mulf %add3A_292, %sub3A_260 : vector<3750x128xf32>
    %add3A_294 = arith.constant 0.246640727 : f32
    %add3A_295 = vector.broadcast %add3A_294 : f32 to vector<3750x128xf32>
    %add3A_296 = arith.addf %mul3A_293, %add3A_295 : vector<3750x128xf32>
    %mul3A_297 = arith.mulf %add3A_296, %sub3A_260 : vector<3750x128xf32>
    %add3A_298 = arith.constant 1.50140941 : f32
    %add3A_299 = vector.broadcast %add3A_298 : f32 to vector<3750x128xf32>
    %add3A_300 = arith.addf %mul3A_297, %add3A_299 : vector<3750x128xf32>
    %mul3A_301 = arith.constant -2.00214257E-4 : f32
    %mul3A_302 = vector.broadcast %mul3A_301 : f32 to vector<3750x128xf32>
    %mul3A_303 = arith.mulf %mul3A_302, %sub3A_266 : vector<3750x128xf32>
    %add3A_304 = arith.constant 1.00950558E-4 : f32
    %add3A_305 = vector.broadcast %add3A_304 : f32 to vector<3750x128xf32>
    %add3A_306 = arith.addf %mul3A_303, %add3A_305 : vector<3750x128xf32>
    %mul3A_307 = arith.mulf %add3A_306, %sub3A_266 : vector<3750x128xf32>
    %add3A_308 = arith.constant 0.00134934322 : f32
    %add3A_309 = vector.broadcast %add3A_308 : f32 to vector<3750x128xf32>
    %add3A_310 = arith.addf %mul3A_307, %add3A_309 : vector<3750x128xf32>
    %mul3A_311 = arith.mulf %add3A_310, %sub3A_266 : vector<3750x128xf32>
    %add3A_312 = arith.constant -0.00367342844 : f32
    %add3A_313 = vector.broadcast %add3A_312 : f32 to vector<3750x128xf32>
    %add3A_314 = arith.addf %mul3A_311, %add3A_313 : vector<3750x128xf32>
    %mul3A_315 = arith.mulf %add3A_314, %sub3A_266 : vector<3750x128xf32>
    %add3A_316 = arith.constant 0.00573950773 : f32
    %add3A_317 = vector.broadcast %add3A_316 : f32 to vector<3750x128xf32>
    %add3A_318 = arith.addf %mul3A_315, %add3A_317 : vector<3750x128xf32>
    %mul3A_319 = arith.mulf %add3A_318, %sub3A_266 : vector<3750x128xf32>
    %add3A_320 = arith.constant -0.0076224613 : f32
    %add3A_321 = vector.broadcast %add3A_320 : f32 to vector<3750x128xf32>
    %add3A_322 = arith.addf %mul3A_319, %add3A_321 : vector<3750x128xf32>
    %mul3A_323 = arith.mulf %add3A_322, %sub3A_266 : vector<3750x128xf32>
    %add3A_324 = arith.constant 0.00943887047 : f32
    %add3A_325 = vector.broadcast %add3A_324 : f32 to vector<3750x128xf32>
    %add3A_326 = arith.addf %mul3A_323, %add3A_325 : vector<3750x128xf32>
    %mul3A_327 = arith.mulf %add3A_326, %sub3A_266 : vector<3750x128xf32>
    %add3A_328 = arith.constant 1.00167406 : f32
    %add3A_329 = vector.broadcast %add3A_328 : f32 to vector<3750x128xf32>
    %add3A_330 = arith.addf %mul3A_327, %add3A_329 : vector<3750x128xf32>
    %mul3A_331 = arith.mulf %add3A_330, %sub3A_266 : vector<3750x128xf32>
    %add3A_332 = arith.constant 2.83297682 : f32
    %add3A_333 = vector.broadcast %add3A_332 : f32 to vector<3750x128xf32>
    %add3A_334 = arith.addf %mul3A_331, %add3A_333 : vector<3750x128xf32>
    %lt3A = arith.constant 5.000000e+00 : f32
    %lt3A_335 = vector.broadcast %lt3A : f32 to vector<3750x128xf32>
    %lt3A_336 = arith.cmpf olt, %neg3A_257, %lt3A_335 : vector<3750x128xf32>
    %select_n3A = arith.select %lt3A_336, %add3A_300, %add3A_334 : vector<3750x128xi1>, vector<3750x128xf32>
    %mul3A_337 = arith.mulf %select_n3A, %max3A_251 : vector<3750x128xf32>
    %mul3A_338 = arith.constant 1.41421354 : f32
    %mul3A_339 = vector.broadcast %mul3A_338 : f32 to vector<3750x128xf32>
    %mul3A_340 = arith.mulf %mul3A_339, %mul3A_337 : vector<3750x128xf32>
    %swap3A = arith.constant 0 : index
    %swap3A_341 = arith.constant 0 : index
    %swap3A_342 = arith.constant 0 : index
    %swap3A_343 = vector.load %arg1[%swap3A, %swap3A_341, %swap3A_342] : memref<1x3750x128xf32, #tpu.memory_space<vmem>>, vector<1x3750x128xf32>
    %swap3A_344 = vector.shape_cast %swap3A_343 : vector<1x3750x128xf32> to vector<3750x128xf32>
    %swap3A_345 = vector.shape_cast %mul3A_340 : vector<3750x128xf32> to vector<1x3750x128xf32>
    tpu.vector_store %arg1[%swap3A, %swap3A_341, %swap3A_342], %swap3A_345 {strides = array<i32>} : memref<1x3750x128xf32, #tpu.memory_space<vmem>>, vector<1x3750x128xf32>,
    return
  }
  func.func @transform_0(%arg0: i32) -> (i32, i32, i32) {
    %c0_i32 = arith.constant 0 : i32
    %c0_i32_0 = arith.constant 0 : i32
    %c0_i32_1 = arith.constant 0 : i32
    return %arg0, %c0_i32, %c0_i32_0 : i32, i32, i32
  }
}

</mosaic_0001>

<sc_bundles>
// kernel: sparse-core-data-format-call.cloned.1.call-start
scs
called_computation_lowered:
.L_overlay_start_0:
0x0: {  	s2 =	sld [smem:$0x3FD9]  }
0x1: {  	s3 =	sld [smem:$0x3FFE];
	_ =	sdelay $0x1  }
0x2: {  	s1 =	srdreg.scid  }
0x3: {  	s0 =	sand.u32 $0x1, s1  }
0x4: {  	s15 =	sshll.u32 s0, $0xA;
	s2 =	sadd.s32 s3, s2  }
0x5: {  	s2 =	sadd.s32 s2, s15  }
0x6: {  	[smem:$0x3FC6] =	sst s2  }
0x7: {  	_ = 	snop  }
0x8: {  	s2 =	sld [smem:$0x3FD0];
	_ =	sdelay $0x2  }
0x9: {  	s16 =	simm.s32 $0xA;
	s4 =	simm.s32 $0x10  }
0xa: {  	[smem:s4], [sflag:s16] =	dma.local [hbm:s2], $0x1  }
0xb: {  	_ =	swait.eq [sflag:s16], $0x1  }
0xc: {  	[sflag:s16] =	ssyncset.done $0x0  }
0xd: {  	[sflag:s16] =	ssyncadd.s32 $0xFFFFFFFF  }
0xe: {  	s17 =	sld [smem:$0x10];
	(tm) =	ssettm $0x1  }
0xf: {  	s18 =	sld [smem:$0x3FFB];
	_ =	sdelay $0x3  }
0x10: {  	_ =	strace s18  }
0x11: {  	s3 =	sld [smem:$0x3FFC];
	_ =	sdelay $0x3  }
0x12: {  	_ =	strace s3  }
0x13: {  	s3 =	sld [smem:$0x3FFD];
	_ =	sdelay $0x3  }
0x14: {  	_ =	strace s3  }
0x15: {  	_ =	strace $0x8FFFFFFF  }
0x16: {  	s19 =	sld [smem:$0x3FDB];
	_ =	sdelay $0x1  }
0x17: {  	s20 =	simm.s32 $_scs_section_size  }
0x18: {  	s5 =	simm.s32 $_size__tile_overlayer_lowered;
	s6 =	simm.s32 $_tile_overlayer_lowered  }
0x19: {  	s23 =	simm.s32 $0x1BFF;
	s22 =	sshll.u32 s6, $0x1;
	s3 =	sadd.s32 s20, s19  }
0x1a: {  	s7 =	simm.s32 $0x0;
	s21 =	sshll.u32 s5, $0x1;
	s5 =	sadd.s32 s22, s3  }
0x1b: {  	[timem:s7], [sflag:s23] =	dma.local [hbm:s5], s21  }
0x1c: {  	_ =	swait.ge [sflag:s23], s21  }
0x1d: {  	s4 =	ssub.s32 $0x0, s21;
	[sflag:s23] =	ssyncset.done $0x0  }
0x1e: {  	[sflag:s23] =	ssyncadd.s32 s4;
	_ =	sdelay $0x1  }
0x1f: {  	s24 =	simm.s32 $0x1B8B  }
0x20: {  	_ =	swait.ge [sflag:s24], $0x1  }
0x21: {  	[sflag:s24] =	ssyncset.done $0x0  }
0x22: {  	s26 =	simm.s32 $0x1B8E;
	s25 =	sld [smem:$0x3FFE];
	[sflag:s24] =	ssyncadd.s32 $0xFFFFFFFF  }
0x23: {  	s27 =	simm.s32 $execute0_lowered;
	[smem:$0x3FD2] =	sst s26  }
0x24: {  	s5 =	sshll.u32 s27, $0x1;
	_ =	strace $0x80000046;
	[dreg:$0x1] =	wrdreg $0xFFFFFFFF  }
0x25: {  	s28 =	simm.s32 $_size_execute0_lowered;
	s3 =	sadd.s32 s3, s5;
	[dreg:$0x0] =	wrdreg $0x0  }
0x26: {  	s5 =	sshll.u32 s28, $0x1;
	[dreg:$0x2] =	wrdreg s3  }
0x27: {  	[dreg:$0x3] =	wrdreg s5  }
0x28: {  	[dreg:$0x4] =	wrdreg $0xC0  }
0x29: {  	_ =	task [dreg:s7], $0x5FFFF  }
0x2a: {  	[dreg:$0x1] =	wrdreg $0xFFFFFFFF  }
0x2b: {  	[dreg:$0x0] =	wrdreg $0x60  }
0x2c: {  	[dreg:$0x2] =	wrdreg s25  }
0x2d: {  	[dreg:$0x3] =	wrdreg s17  }
0x2e: {  	[dreg:$0x4] =	wrdreg $0x9  }
0x2f: {  	_ =	task.clear_ibuf [dreg:s7], $0x5FFFF;
	_ =	strace $0x90000046  }
0x30: {  	s29 =	simm.s32 $0x9;
	_ =	strace $0x80000048  }
0x31: {  	_ =	swait.ge [sflag:s29], $0x1  }
0x32: {  	[sflag:s29] =	ssyncadd.s32 $0xFFFFFFFF  }
0x33: {  	_ =	strace $0x90000048  }
0x34: {  	_ =	sfence  }
0x35: {  	s30 =	sld [smem:$0x0];
	_ =	sdelay $0x2  }
0x36: {  	s31 =	sshll.u32 s1, $0xD;
	s1 =	sshrl.u32 s1, $0x2  }
0x37: {  	s3 =	sand.u32 $0x4000, s31;
	s1 =	sadd.s32 s1, s30  }
0x38: {  	s0 =	sor.u32 s3, s0;
	s1 =	sshll.u32 s1, $0x11  }
0x39: {  	s0 =	sor.u32 s1, s0  }
0x3a: {  	s0 =	sadd.s32 $0x8F2B, s0  }
0x3b: {  	[sflag:s0] =	ssyncadd.remote.s32 $0x1  }
0x3c: {  	_ =	sfence.sel $0xFFFF  }
0x3d: {  	[dreg:$0x0] =	wrdreg $0xFFFFFFFF;
	(pc) =	sbr.abs _section_cstart, $3  }
0x3e: {  	[dreg:$0x1] =	wrdreg $0xFFFFFFFF  }
0x3f: {  	_ =	task.clear_ibuf [dreg:s7], $0x2FFFF;
	_ =	strace $0x9FFFFFFF  }
0x40: {  	(tm) =	ssettm $0x7FFFFFFF  }
0x41: {  	_ =	shalt  }
tec
execute0_lowered:
.L_overlay_start_1:
0x0: {  	(tag) =	ssettag $0x1  }
0x1: {  	s0 =	rddreg [dreg:$0x0]  }
0x2: {  	s2 =	rddreg [dreg:$0x1]  }
0x3: {  	s1 =	srdreg.scid;
	_ =	strace $0x80000047;
	s4 =	stileid.u32  }
0x4: {  	s5 =	simm.s32 $0x1;
	s31 =	simm.s32 $0x2;
	s17 =	simm.s32 $0x0  }
0x5: {  	p0 =	por $0x0, $0x0;
	s7 =	simm.s32 $0x80;
	s8 =	simm.s32 $0x400  }
0x6: {  	s16 =	simm.s32 $0x0;
	s18 =	simm.s32 $0x0;
	s9 =	simm.s32 $0x0  }
.Ltmp0:
0x7: {  	s11 =	simm.s32 $0x0;
	s1 =	sshll.u32 s1, $0x4;
	(pc) =	sbr.rel .LBB1_1-.Ltmp0, $4  }
0x8: {  	s12 =	simm.s32 $0x0;
	s13 =	simm.s32 $0x0;
	s30 =	sand.u32 $0x10, s1  }
0x9: {  	s10 =	simm.s32 $0x0;
	s3 =	sadd.s32 $0x3AA600, s0;
	s0 =	sor.u32 s4, s30  }
0xa: {  	[sflag:s5] =	ssyncpa.u1 $0x0;
	s4 =	sand.u32 $0x3, s4;
	s6 =	sshrl.u32 s0, $0x2  }
0xb: {  	[sflag:s31] =	ssyncpa.u1 $0x0;
	s15 =	smov.u32 s4;
	s14 =	smov.u32 s6  }
.LBB1_13:
0xc: {  	p1 =	sgt.s32 s9, $0xE26;
	s0 =	smov.u32 s9  }
0xd: {  	s0 =	simm.s32 @!p1 $0xE26  }
0xe: {  	s0 =	sadd.s32 s19, s0  }
0xf: {  	s1 =	sadd.s32 $0xFFFFF1DA, s0  }
0x10: {  	s28 =	smul.u32 $0x75300, s12;
	s0 =	ssub.s32 $0xEA6, s0;
	p1 =	sgt.s32 s1, $0x7F  }
0x11: {  	s29 =	sshll.u32 s9, $0x7;
	s0 =	simm.s32 @p1 $0x0  }
0x12: {  	s30 =	sshll.u32 s11, $0x4;
	s1 =	sadd.s32 s2, s28;
	s0 =	smul.u32 s0, s20  }
0x13: {  	s1 =	sadd.s32 s29, s1;
	s20 =	sand.u32 $0x70, s30  }
0x14: {  	s31 =	sor.u32 $0x8000, s22;
	s1 =	sadd.s32 s20, s1;
	s0 =	sand.u32 $0x3FFFFF80, s0  }
0x15: {  	[hbm4b:s1+s7] =	stream.strided.scatter [tilespmem:s31], [sflag:$0x2], s0, s8, s7, $0x38;
	[tilespmem:$0x10000] =	vst v63  }
.LBB1_14:
0x16: {  	p1 =	slt.u32 s10, $0x2;
	s0 =	smov.u32 s18  }
0x17: {  	p2 =	sgt.s32 @!p1 s18, $0x3;
	s1 =	sshra.s32 @!p1 s18, $0x1F;
	p3 =	sgt.s32 @!p1 s16, $0x7  }
0x18: {  	s19 =	sshra.s32 @!p1 s16, $0x1F;
	p2 =	por !p2, p1;
	s1 =	sand.u32 @!p1 s1, s18  }
0x19: {  	s18 =	smov.u32 s17;
	p3 =	por !p3, p1;
	s0 =	simm.s32 @p2 $0x3  }
0x1a: {  	p2 =	sgt.s32 @!p1 s17, $0xE26;
	s0 =	ssub.s32 @!p1 s0, s1;
	s1 =	sshra.s32 @!p1 s17, $0x1F  }
0x1b: {  	p2 =	por !p2, p1;
	s1 =	sand.u32 @!p1 s1, s17;
	s17 =	smov.u32 s16  }
0x1c: {  	s18 =	simm.s32 @p2 $0xE26;
	s16 =	sand.u32 @!p1 s19, s16;
	s17 =	simm.s32 @p3 $0x7  }
0x1d: {  	s0 =	sadd.s32 @!p1 $0xFFFFFFFD, s0;
	s1 =	ssub.s32 @!p1 s18, s1;
	s16 =	ssub.s32 @!p1 s17, s16  }
0x1e: {  	p2 =	sgt.s32 @!p1 s0, $0x0;
	s0 =	sshll.u32 @!p1 s0, $0x7;
	s18 =	sadd.s32 @!p1 $0xFFFFFFF9, s16  }
0x1f: {  	s17 =	sadd.s32 @!p1 $0xFFFFF1DA, s1;
	s0 =	ssub.s32 @!p1 $0x80, s0;
	p3 =	sgt.s32 @!p1 s18, $0x0  }
0x20: {  	p2 =	por !p2, p1;
	s16 =	ssub.s32 @!p1 $0x8, s16;
	p3 =	por !p3, p1  }
0x21: {  	s0 =	simm.s32 @!p2 $0x0;
	s16 =	simm.s32 @!p3 $0x0;
	p3 =	sgt.s32 @!p1 s17, $0x7F  }
0x22: {  	s1 =	ssub.s32 @!p1 $0xEA6, s1;
	p2 =	por !p3, p1;
	s0 =	smul.u32 @!p1 s16, s0  }
0x23: {  	s1 =	simm.s32 @!p2 $0x0  }
0x24: {  	s0 =	smul.u32 @!p1 s1, s0;
	s1 =	sadd.s32 $0x80, s13  }
0x25: {  	s19 =	smov.u32 s14;
	s16 =	sadd.s32 $0x8, s14;
	p2 =	sgt.s32 s1, $0xEA5  }
0x26: {  	s19 =	smov.u32 @p2 s16  }
0x27: {  	s21 =	smov.u32 s15;
	s16 =	sadd.s32 $0x4, s15;
	p3 =	sgt.s32 s19, $0x7  }
0x28: {  	s10 =	sadd.s32 $0x1, s10;
	p0 =	por !p0, !p0;
	s21 =	smov.u32 @p3 s16  }
0x29: {  	s20 =	simm.s32 @!p1 $0x2;
	s1 =	simm.s32 @p2 $0x0;
	p2 =	sgt.s32 s21, $0x3  }
0x2a: {  	s18 =	smov.u32 s12;
	s21 =	smov.u32 @p2 s4;
	p2 =	sne.s32 s10, $0x20  }
.Ltmp1:
0x2b: {  	s12 =	smov.u32 s15;
	s0 =	sand.u32 @!p1 $0x3FFFFF80, s0;
	(pc) =	sbr.rel @!p2 .LBB1_15-.Ltmp1, $4  }
0x2c: {  	s17 =	smov.u32 s9;
	s9 =	smov.u32 s13;
	_ =	swait.ge @!p1 [sflag:s20], s0  }
0x2d: {  	s0 =	ssub.s32 @!p1 $0x0, s0;
	s13 =	smov.u32 s1;
	[sflag:s20] =	ssyncset.done @!p1 $0x0  }
0x2e: {  	s16 =	smov.u32 s11;
	s19 =	smov.u32 @p3 s6;
	s11 =	smov.u32 s14  }
0x2f: {  	[sflag:s20] =	ssyncadd.s32 @!p1 s0;
	s14 =	smov.u32 s19;
	s15 =	smov.u32 s21  }
.LBB1_1:
0x30: {  	p1 =	sgt.u32 s10, $0x1D;
	s19 =	smov.u32 s15  }
0x31: {  	s0 =	sand.u32 @!p1 $0x1FFFFFF, s13;
	p2 =	sgt.s32 @!p1 s15, $0x3;
	s20 =	sshra.s32 @!p1 s15, $0x1F  }
0x32: {  	s21 =	sshra.s32 @!p1 s14, $0x1F;
	s1 =	smulhi.u32 @!p1 $0x8BBC51, s0;
	p2 =	por !p2, p1  }
0x33: {  	s20 =	sand.u32 @!p1 s20, s15;
	s21 =	sand.u32 @!p1 s21, s14;
	s19 =	simm.s32 @p2 $0x3  }
0x34: {  	p2 =	sgt.s32 @!p1 s14, $0x7;
	s1 =	sshrl.u32 @!p1 s1, $0x3;
	s19 =	ssub.s32 @!p1 s19, s20  }
0x35: {  	p2 =	por !p2, p1;
	s20 =	smov.u32 s14;
	s1 =	smul.u32 @!p1 $0xEA8, s1  }
0x36: {  	s20 =	simm.s32 @p2 $0x7;
	p2 =	sgt.s32 @!p1 s13, $0xE28;
	s19 =	sadd.s32 @!p1 $0xFFFFFFFD, s19  }
0x37: {  	s20 =	ssub.s32 @!p1 s20, s21;
	p2 =	por !p2, p1;
	s21 =	smov.u32 s13  }
0x38: {  	p3 =	sgt.s32 @!p1 s19, $0x0;
	s19 =	sshll.u32 @!p1 s19, $0x7;
	s22 =	sadd.s32 @!p1 $0xFFFFFFF9, s20  }
0x39: {  	s21 =	simm.s32 @p2 $0xE28;
	p2 =	sgt.s32 @!p1 s22, $0x0;
	s22 =	sshra.s32 @!p1 s13, $0x1F  }
0x3a: {  	s20 =	ssub.s32 @!p1 $0x8, s20;
	s19 =	ssub.s32 @!p1 $0x80, s19;
	s22 =	sand.u32 @!p1 s22, s13  }
0x3b: {  	p3 =	por !p3, p1;
	p2 =	por !p2, p1;
	s21 =	ssub.s32 @!p1 s21, s22  }
0x3c: {  	s19 =	simm.s32 @!p3 $0x0;
	s20 =	simm.s32 @!p2 $0x0;
	s22 =	sadd.s32 @!p1 $0xFFFFF1D8, s21  }
0x3d: {  	s0 =	ssub.s32 @!p1 s0, s1;
	s19 =	smul.u32 @!p1 s20, s19;
	p2 =	sgt.s32 @!p1 s22, $0x7F  }
0x3e: {  	s20 =	ssub.s32 @!p1 $0xEA8, s21;
	s21 =	smul.u32 @!p1 $0x75400, s15;
	p2 =	por !p2, p1  }
0x3f: {  	s1 =	smul.u32 @!p1 $0xEA80, s14;
	s22 =	sxor.u32 @!p1 $0xFFFFFFFF, s10;
	s20 =	simm.s32 @!p2 $0x0  }
0x40: {  	s22 =	sshll.u32 @!p1 s22, $0xE;
	s19 =	smul.u32 @!p1 s20, s19;
	s20 =	sadd.s32 @!p1 s3, s21  }
0x41: {  	s0 =	sshll.u32 @!p1 s0, $0x4;
	s21 =	sand.u32 @!p1 $0x4000, s22;
	s1 =	sadd.s32 @!p1 s1, s20  }
0x42: {  	s19 =	sand.u32 @!p1 $0x3FFFFF80, s19;
	s0 =	sadd.s32 @!p1 s0, s1;
	s1 =	simm.s32 @!p1 $0x0  }
0x43: {  	[tilespmem:s21], [sflag:$0x1] =	stream.linear.gather @!p1 [hbm4b:s0+s1], s19, $0x38;
	[tilespmem:$0x10000] =	vst v63  }
0x44: {  	p1 =	seq.s32 s10, $0x0  }
0x45: {  	p2 =	seq.s32 @!p1 s10, $0x1F  }
0x46: {  	p1 =	por p1, p2  }
.Ltmp2:
0x47: {  	_ = 	snop;
	(pc) =	sbr.rel @p1 .LBB1_14-.Ltmp2, $1  }
0x48: {  	_ =	sdelay $0x3  }
0x49: {  	p1 =	sgt.s32 s12, $0x3  }
0x4a: {  	s0 =	smov.u32 s12;
	s1 =	sshra.s32 s12, $0x1F;
	s19 =	sshra.s32 s11, $0x1F  }
0x4b: {  	s28 =	ssub.s32 $0x0, s9;
	s29 =	sshra.s32 s9, $0x1F;
	p2 =	sgt.s32 s9, $0xE28  }
0x4c: {  	s21 =	smov.u32 s9;
	s0 =	simm.s32 @!p1 $0x3;
	s1 =	sand.u32 s1, s12  }
0x4d: {  	p1 =	sgt.s32 s11, $0x7;
	s0 =	ssub.s32 s0, s1;
	s1 =	smov.u32 s11  }
0x4e: {  	s19 =	sand.u32 s19, s11;
	s21 =	simm.s32 @!p2 $0xE28;
	s1 =	simm.s32 @!p1 $0x7  }
0x4f: {  	s20 =	sadd.s32 $0xFFFFFFFD, s0;
	s0 =	ssub.s32 $0x4, s0;
	s1 =	ssub.s32 s1, s19  }
0x50: {  	p1 =	sgt.s32 s20, $0x0;
	s19 =	sand.u32 s28, s29;
	s22 =	sadd.s32 $0xFFFFFFF9, s1  }
0x51: {  	s1 =	ssub.s32 $0x8, s1;
	s20 =	sadd.s32 s19, s21;
	p2 =	sgt.s32 s22, $0x0  }
0x52: {  	s0 =	simm.s32 @p1 $0x0;
	s21 =	sadd.s32 $0xFFFFF1D8, s20;
	s1 =	simm.s32 @p2 $0x0  }
0x53: {  	p1 =	sgt.s32 s21, $0x7F;
	s0 =	smul.u32 s0, s1;
	s1 =	ssub.s32 $0xEA8, s20  }
0x54: {  	s21 =	sadd.s32 $0x1, s12;
	s1 =	simm.s32 @p1 $0x0  }
0x55: {  	p1 =	slt.s32 s21, $0x4;
	s20 =	sshll.u32 s0, $0x7;
	s0 =	sadd.s32 $0x1, s11  }
0x56: {  	s21 =	simm.s32 @!p1 $0x4;
	p1 =	slt.s32 s0, $0x8  }
0x57: {  	s22 =	sadd.s32 $0x80, s9;
	s21 =	ssub.s32 s21, s12;
	s0 =	simm.s32 @!p1 $0x8  }
0x58: {  	p1 =	slt.s32 s22, $0xEA6;
	p2 =	slt.s32 s21, $0x1;
	s23 =	ssub.s32 s0, s11  }
0x59: {  	s22 =	simm.s32 @!p1 $0xEA6;
	p1 =	slt.s32 @!p2 s23, $0x1  }
0x5a: {  	s24 =	ssub.s32 s22, s9;
	p1 =	por p2, p1  }
0x5b: {  	p2 =	slt.s32 @!p1 s24, $0x1  }
0x5c: {  	s1 =	smul.u32 s1, s20;
	p1 =	por p1, p2  }
.Ltmp3:
0x5d: {  	_ = 	snop;
	(pc) =	sbr.rel @p1 .LBB1_13-.Ltmp3, $4  }
0x5e: {  	s30 =	sand.u32 $0x3FFFFF80, s1  }
0x5f: {  	_ =	swait.ge [sflag:s5], s30  }
0x60: {  	s31 =	sshll.u32 s10, $0xE;
	s1 =	ssub.s32 $0x0, s30;
	[sflag:s5] =	ssyncset.done $0x0  }
0x61: {  	s22 =	sand.u32 $0x4000, s31;
	[sflag:s5] =	ssyncadd.s32 s1  }
.Ltmp4:
0x62: {  	(pc) =	sbr.rel .LBB1_4-.Ltmp4, $4  }
0x63: {  	s0 =	simm.s32 $0x1  }
0x64: {  	s0 =	simm.s32 @!p0 $0x0  }
0x65: {  	s0 =	sshll.u32 s0, $0xE  }
0x66: {  	s26 =	simm.s32 $0x0;
	s25 =	sor.u32 $0x8000, s0  }
.LBB1_12:
0x67: {  	s26 =	sadd.s32 $0x1, s26  }
0x68: {  	p1 =	sne.s32 s26, s21  }
.Ltmp5:
0x69: {  	_ = 	snop;
	(pc) =	sbr.rel @!p1 .LBB1_13-.Ltmp5, $2  }
0x6a: {  	_ =	sdelay $0x2  }
0x6b: {  	s25 =	sadd.s32 $0x4000, s25  }
.LBB1_4:
0x6c: {  	s27 =	simm.s32 $0x0;
	s28 =	simm.s32 $0x0  }
.LBB1_5:
0x6d: {  	s0 =	sadd.s32 s26, s28  }
0x6e: {  	s1 =	sshll.u32 s27, $0x2;
	s0 =	sshll.u32 s0, $0x10  }
0x6f: {  	s1 =	sand.u32 $0xE00, s1;
	s0 =	sshra.s32 s0, $0x2  }
0x70: {  	p2 =	sne.s32 s24, $0x1;
	s1 =	sshrl.u32 s1, $0x2;
	s0 =	sadd.s32 s0, s22  }
.Ltmp6:
0x71: {  	v0 =	vmov s1;
	v1 =	vmov s0;
	(pc) =	sbr.rel @!p2 .LBB1_6-.Ltmp6, $3  }
0x72: {  	_ =	sdelay $0x1  }
0x73: {  	s29 =	simm.s32 $0x0  }
0x74: {  	p1 =	por $0x0, $0x0;
	s30 =	sand.u32 $0x3F80, s29;
	s1 =	sadd.s32 $0xFFFFFFFF, s24  }
0x75: {  	_ =	sdelay $0x3  }
0x76: {  	v7 =	vld.idx.msk [tilespmem:v1+s30+$0x70 ss:$0x1], $0xffff  }
0x77: {  	v8 =	vld.idx.msk [tilespmem:v1+s30+$0x0 ss:$0x1], $0xffff  }
0x78: {  	v2 =	vld.idx.msk [tilespmem:v1+s30+$0x10 ss:$0x1], $0xffff;
	p2 =	sne.s32 s1, $0x1  }
.Ltmp7:
0x79: {  	v3 =	vld.idx.msk [tilespmem:v1+s30+$0x20 ss:$0x1], $0xffff;
	(pc) =	sbr.rel @!p2 .LBB1_8-.Ltmp7, $4  }
0x7a: {  	v4 =	vld.idx.msk [tilespmem:v1+s30+$0x30 ss:$0x1], $0xffff  }
0x7b: {  	v5 =	vld.idx.msk [tilespmem:v1+s30+$0x40 ss:$0x1], $0xffff  }
0x7c: {  	v6 =	vld.idx.msk [tilespmem:v1+s30+$0x50 ss:$0x1], $0xffff;
	s0 =	simm.s32 $0x80;
	s1 =	sadd.s32 $0xFFFFFFFF, s1;
	[tilespmem:v0+s25+$0x70 ss:$0x1] =	vst.idx.msk $0xffff, v7  }
0x7d: {  	p1 =	por $0x1, $0x1;
	s29 =	smov.u32 s25;
	s31 =	sand.u32 $0x3F80, s0;
	[tilespmem:v0+s25+$0x0 ss:$0x1] =	vst.idx.msk $0xffff, v8;
	v7 =	vld.idx.msk [tilespmem:v1+s30+$0x60 ss:$0x1], $0xffff  }
.LBB1_9:
0x7e: {  	p2 =	sne.s32 s1, $0x1;
	v8 =	vld.idx.msk [tilespmem:v1+s31+$0x70 ss:$0x1], $0xffff;
	[tilespmem:v0+s29+$0x10 ss:$0x1] =	vst.idx.msk $0xffff, v2  }
0x7f: {  	v9 =	vld.idx.msk [tilespmem:v1+s31+$0x0 ss:$0x1], $0xffff;
	[tilespmem:v0+s29+$0x20 ss:$0x1] =	vst.idx.msk $0xffff, v3  }
0x80: {  	v2 =	vld.idx.msk [tilespmem:v1+s31+$0x10 ss:$0x1], $0xffff;
	[tilespmem:v0+s29+$0x30 ss:$0x1] =	vst.idx.msk $0xffff, v4  }
.Ltmp8:
0x81: {  	v3 =	vld.idx.msk [tilespmem:v1+s31+$0x20 ss:$0x1], $0xffff;
	[tilespmem:v0+s29+$0x40 ss:$0x1] =	vst.idx.msk $0xffff, v5;
	(pc) =	sbr.rel @p2 .LBB1_9-.Ltmp8, $4  }
0x82: {  	v4 =	vld.idx.msk [tilespmem:v1+s31+$0x30 ss:$0x1], $0xffff;
	[tilespmem:v0+s29+$0x50 ss:$0x1] =	vst.idx.msk $0xffff, v6  }
0x83: {  	v5 =	vld.idx.msk [tilespmem:v1+s31+$0x40 ss:$0x1], $0xffff;
	[tilespmem:v0+s29+$0x60 ss:$0x1] =	vst.idx.msk $0xffff, v7;
	s29 =	sadd.s32 $0x80, s29  }
0x84: {  	s0 =	sadd.s32 $0x80, s0;
	v6 =	vld.idx.msk [tilespmem:v1+s31+$0x50 ss:$0x1], $0xffff;
	[tilespmem:v0+s29+$0x70 ss:$0x1] =	vst.idx.msk $0xffff, v8  }
0x85: {  	s1 =	sadd.s32 $0xFFFFFFFF, s1;
	[tilespmem:v0+s29+$0x0 ss:$0x1] =	vst.idx.msk $0xffff, v9;
	v7 =	vld.idx.msk [tilespmem:v1+s31+$0x60 ss:$0x1], $0xffff;
	s31 =	sand.u32 $0x3F80, s0  }
0x86: {  	s30 =	smov.u32 s31  }
.LBB1_11:
0x87: {  	_ =	sdelay $0x3  }
0x88: {  	[tilespmem:v0+s29+$0x10 ss:$0x1] =	vst.idx.msk @p1 $0xffff, v2  }
0x89: {  	v56 =	vld.idx.msk [tilespmem:v1+s30+$0x70 ss:$0x1], $0xffff;
	[tilespmem:v0+s29+$0x20 ss:$0x1] =	vst.idx.msk @p1 $0xffff, v3  }
0x8a: {  	v57 =	vld.idx.msk [tilespmem:v1+s30+$0x0 ss:$0x1], $0xffff;
	[tilespmem:v0+s29+$0x30 ss:$0x1] =	vst.idx.msk @p1 $0xffff, v4  }
0x8b: {  	v58 =	vld.idx.msk [tilespmem:v1+s30+$0x10 ss:$0x1], $0xffff;
	[tilespmem:v0+s29+$0x40 ss:$0x1] =	vst.idx.msk @p1 $0xffff, v5  }
0x8c: {  	v59 =	vld.idx.msk [tilespmem:v1+s30+$0x20 ss:$0x1], $0xffff;
	s0 =	sadd.s32 @p1 $0x80, s29;
	s1 =	smov.u32 s25;
	[tilespmem:v0+s29+$0x50 ss:$0x1] =	vst.idx.msk @p1 $0xffff, v6  }
0x8d: {  	v60 =	vld.idx.msk [tilespmem:v1+s30+$0x30 ss:$0x1], $0xffff;
	s1 =	smov.u32 @p1 s0;
	[tilespmem:v0+s29+$0x60 ss:$0x1] =	vst.idx.msk @p1 $0xffff, v7  }
0x8e: {  	v61 =	vld.idx.msk [tilespmem:v1+s30+$0x40 ss:$0x1], $0xffff;
	[tilespmem:v0+s1+$0x70 ss:$0x1] =	vst.idx.msk $0xffff, v56  }
0x8f: {  	v62 =	vld.idx.msk [tilespmem:v1+s30+$0x50 ss:$0x1], $0xffff;
	s28 =	sadd.s32 $0x1, s28;
	[tilespmem:v0+s1+$0x0 ss:$0x1] =	vst.idx.msk $0xffff, v57  }
0x90: {  	v63 =	vld.idx.msk [tilespmem:v1+s30+$0x60 ss:$0x1], $0xffff;
	p1 =	sne.s32 s28, s23;
	[tilespmem:v0+s1+$0x10 ss:$0x1] =	vst.idx.msk $0xffff, v58  }
.Ltmp9:
0x91: {  	[tilespmem:v0+s1+$0x20 ss:$0x1] =	vst.idx.msk $0xffff, v59;
	(pc) =	sbr.rel @p1 .LBB1_5-.Ltmp9, $4  }
.Ltmp10:
0x92: {  	[tilespmem:v0+s1+$0x30 ss:$0x1] =	vst.idx.msk $0xffff, v60;
	(pc) =	sbr.rel @!p1 .LBB1_12-.Ltmp10, $4  }
0x93: {  	[tilespmem:v0+s1+$0x40 ss:$0x1] =	vst.idx.msk $0xffff, v61  }
0x94: {  	[tilespmem:v0+s1+$0x50 ss:$0x1] =	vst.idx.msk $0xffff, v62  }
0x95: {  	s27 =	sadd.s32 $0x80, s27;
	[tilespmem:v0+s1+$0x60 ss:$0x1] =	vst.idx.msk $0xffff, v63  }
0x96: {  	_ = 	snop  }
.LBB1_6:
.Ltmp11:
0x97: {  	(pc) =	sbr.rel .LBB1_11-.Ltmp11, $2  }
0x98: {  	_ =	sdelay $0x2  }
0x99: {  	s29 =	smov.u32 s25  }
.LBB1_8:
.Ltmp12:
0x9a: {  	(pc) =	sbr.rel .LBB1_11-.Ltmp12, $2  }
0x9b: {  	_ =	sdelay $0x2  }
0x9c: {  	s30 =	smov.u32 s31;
	s29 =	smov.u32 s25  }
.LBB1_15:
0x9d: {  	_ =	sfence.sel $0x180000  }
0x9e: {  	s0 =	simm.s32 $0x1;
	[bflag:$0x0] =	sbarrier.arrive $0xFFFF  }
0x9f: {  	s30 =	simm.s32 $0x2;
	[sflag:s0] =	ssyncpa.u1 $0x1  }
0xa0: {  	[sflag:s30] =	ssyncpa.u1 $0x1  }
0xa1: {  	_ =	strace $0x90000047  }
0xa2: {  	s31 =	stileid.u32;
	[bflag:$0x2] =	sbarrier.arrive $0xFFFF  }
0xa3: {  	p0 =	sne.s32 s31, $0x0;
	s0 =	rddreg [dreg:$0x2]  }
0xa4: {  	s0 =	sadd.s32 @!p0 $0x100000, s0  }
0xa5: {  	[sflag:s0] =	ssyncadd.tile.s32 @!p0 $0x1;
	_ =	shalt  }
.Lfunc_end1:
_tile_overlayer_lowered:
.L_overlay_start_2:
0xa6: {  	(tag) =	ssettag $0x2  }
0xa7: {  	s0 =	rddreg [dreg:$0x0];
	s2 =	stileid.u32  }
0xa8: {  	s1 =	rddreg [dreg:$0x1];
	p0 =	sne.s32 s2, $0x0  }
0xa9: {  	s3 =	rddreg [dreg:$0x2];
	[bflag:$0x3] =	sbarrier.arrive $0xFFFF;
	s2 =	simm.s32 @!p0 $0x1C01  }
0xaa: {  	[timem:s3], [sflag:s2] =	dma.local @!p0 [hbm:s0], s1  }
0xab: {  	s0 =	simm.s32 @!p0 $0x1  }
0xac: {  	_ =	swait.ge @!p0 [sflag:s0], s1  }
0xad: {  	s1 =	ssub.s32 @!p0 $0x0, s1;
	[sflag:s0] =	ssyncset.done @!p0 $0x0  }
0xae: {  	[sflag:s0] =	ssyncadd.s32 @!p0 s1  }
0xaf: {  	[bflag:$0x3] =	sbarrier.arrive $0xFFFF  }
0xb0: {  	_ =	shalt  }

</sc_bundles>
